<compile_context>
chip_gen: v7x
topology: tpu7x:2x2x1
jax: 0.10.2.dev20260603
libtpu: 0.0.44.dev20260713+nightly
codegen_flags: <defaults>
</compile_context>

<pallas_src>
import functools

import jax
import jax.numpy as jnp
from jax import lax
from jax.experimental import pallas as pl
from jax.experimental.pallas import tpu as pltpu
from jax.experimental.pallas import tpu_sc as plsc

N = 1024
C = 200
V = 100000
TOTAL = N * C
NC, NS, L = 2, 16, 16
NW = NC * NS
PER_W = TOTAL // NW
NVREG = PER_W // L

_mesh = plsc.VectorSubcoreMesh(core_axis_name="c", subcore_axis_name="s")


@functools.partial(
    pl.kernel,
    out_type=jax.ShapeDtypeStruct((TOTAL,), jnp.float32),
    mesh=_mesh,
    compiler_params=pltpu.CompilerParams(skip_device_barrier=True),
    scratch_types=[
        pltpu.VMEM((PER_W,), jnp.int32),
        pltpu.VMEM((PER_W,), jnp.int32),
        pltpu.VMEM((PER_W,), jnp.float32),
    ] + [pltpu.SemaphoreType.DMA] * 2,
)
def _sc_gather(x_hbm, y_hbm, out_hbm, xv, iv, vv, *sems):
    wid = lax.axis_index("s") * NC + lax.axis_index("c")
    base = wid * PER_W
    pltpu.sync_copy(x_hbm.at[pl.ds(base, PER_W)], xv)

    lane = lax.iota(jnp.int32, L)
    nch = len(sems)
    vch = NVREG // nch
    ech = PER_W // nch

    for c in range(nch):

        @plsc.parallel_loop(c * vch, (c + 1) * vch, unroll=8)
        def idx_body(j):
            o = j * L
            xi = xv[pl.ds(o, L)]
            iv[pl.ds(o, L)] = (
                lax.shift_left(jnp.bitwise_and(xi, ~7), 10)
                + lax.shift_left(jnp.bitwise_and(xi, 7), 7)
                + (jnp.full((L,), (base + o) & 0x1C7F, jnp.int32) + lane))

        pltpu.async_copy(
            y_hbm.at[iv.at[pl.ds(c * ech, ech)]],
            vv.at[pl.ds(c * ech, ech)],
            sems[c],
        )

    for c in range(nch):
        pltpu.make_async_copy(
            y_hbm.at[pl.ds(0, ech)], vv.at[pl.ds(c * ech, ech)], sems[c]
        ).wait()

        @plsc.parallel_loop(c * vch, (c + 1) * vch, unroll=8)
        def add_body(j):
            o = j * L
            vv[pl.ds(o, L)] = (
                vv[pl.ds(o, L)] + xv[pl.ds(o, L)].astype(jnp.float32))

        pltpu.sync_copy(
            vv.at[pl.ds(c * ech, ech)],
            out_hbm.at[pl.ds(base + c * ech, ech)])


def _phys(a):
    r, c = a.shape
    return (
        a.T.reshape(c // 8, 8, r // 128, 128)
        .transpose(0, 2, 1, 3)
        .reshape(-1)
    )


def kernel(x, y):
    out = _sc_gather(_phys(x), _phys(y))
    return (
        out.reshape(C // 8, N // 128, 8, 128)
        .transpose(0, 2, 1, 3)
        .reshape(C, N)
        .T
    )

# --- scband reference (transcript-rebuilt; emitter-appended) ---
"""Pipeline reference for scband-cast-multi-users-48773648614178 (READ-ONLY COPY).

The authoritative reference and input builder live on the scoring server;
editing this copy changes nothing except your own understanding.
"""

import jax, jax.numpy as jnp
import numpy as np


def setup_inputs(seed: int = 0) -> dict:
    key = jax.random.key(seed)
    k1, k2 = jax.random.split(key)
    x = jax.random.randint(k1, (1024, 200), 0, 100000, dtype=jnp.int32)
    y = jax.random.normal(k2, (1024, 100000), dtype=jnp.float32)
    return {"x": x, "y": y}


def reference(x, y):
    index = x.astype(jnp.int64)
    res = jnp.take_along_axis(y, index, axis=1)
    return res + index.astype(jnp.int32)

if __name__ == "__main__":
    import jax
    _d = setup_inputs()
    print(jax.jit(kernel)(*tuple(_d.values())))

</pallas_src>

<mosaic_0001>
#map = affine_map<(d0, d1) -> (0)>
module attributes {stable_mosaic.version = 14 : i64} {
  func.func @_sc_gather(%arg0: i32, %arg1: i32, %arg2: memref<204800xi32, #tpu.memory_space<hbm>>, %arg3: memref<102400000xf32, #tpu.memory_space<hbm>>, %arg4: memref<204800xf32, #tpu.memory_space<hbm>>, %arg5: memref<6400xi32, #tpu.memory_space<vmem>>, %arg6: memref<6400xi32, #tpu.memory_space<vmem>>, %arg7: memref<6400xf32, #tpu.memory_space<vmem>>, %arg8: memref<!tpu.dma_semaphore, #tpu.memory_space<semaphore_mem>>, %arg9: memref<!tpu.dma_semaphore, #tpu.memory_space<semaphore_mem>>) attributes {dimension_semantics = [#tpu.dimension_semantics<core_parallel>, #tpu.dimension_semantics<subcore_parallel>], iteration_bounds = array<i64: 2, 16>, scalar_prefetch = 0 : i64, scratch_operands = 5 : i64, tpu.core_type = #tpu.core_type<sc_vector_subcore>, window_params = [{transform_indices = #map}, {transform_indices = #map}, {transform_indices = #map}]} {
    %mul3A = arith.constant 2 : i32
    %mul3A_0 = arith.muli %arg1, %mul3A : i32
    %add3A = arith.addi %mul3A_0, %arg0 : i32
    %mul3A_1 = arith.constant 6400 : i32
    %mul3A_2 = arith.muli %add3A, %mul3A_1 : i32
    "tpu.region"() ({
      %run_scoped3A = tpu.sem_alloc : memref<!tpu.dma_semaphore, #tpu.memory_space<semaphore_mem>>
      %dma_start3A_44 = tpu.memref_slice %arg2[%mul3A_2] : memref<204800xi32, #tpu.memory_space<hbm>> -> memref<6400xi32, #tpu.memory_space<hbm>>
      %dma_start3A_45 = tpu.memref_slice %arg2[%mul3A_2] : memref<204800xi32, #tpu.memory_space<hbm>> -> memref<6400xi32, #tpu.memory_space<hbm>>
      tpu.enqueue_dma source(%dma_start3A_45 : memref<6400xi32, #tpu.memory_space<hbm>>) target(%arg5 : memref<6400xi32, #tpu.memory_space<vmem>>) target_semaphore(%run_scoped3A : memref<!tpu.dma_semaphore, #tpu.memory_space<semaphore_mem>>)
      %dma_wait3A_46 = tpu.memref_slice %arg2[%mul3A_2] : memref<204800xi32, #tpu.memory_space<hbm>> -> memref<6400xi32, #tpu.memory_space<hbm>>
      %dma_wait3A_47 = tpu.memref_slice %arg2[%mul3A_2] : memref<204800xi32, #tpu.memory_space<hbm>> -> memref<6400xi32, #tpu.memory_space<hbm>>
      tpu.wait_dma2 semaphore(%run_scoped3A : memref<!tpu.dma_semaphore, #tpu.memory_space<semaphore_mem>>) src(%dma_wait3A_47 : memref<6400xi32, #tpu.memory_space<hbm>>) dst(%arg5 : memref<6400xi32, #tpu.memory_space<vmem>>)
      tpu.yield
    }) : () -> ()
    %iota3A = tpu.iota {dimensions = array<i32: 0>} : vector<16xi32>
    %parallel_loop3A = arith.constant 0 : i32
    %parallel_loop3A_3 = arith.constant 200 : i32
    %parallel_loop3A_4 = arith.constant 1 : i32
    scf.for %parallel_loop3A_44 = %parallel_loop3A to %parallel_loop3A_3 step %parallel_loop3A_4  : i32 {
      %parallel_loop3A_45 = arith.constant 16 : i32
      %parallel_loop3A_46 = arith.muli %parallel_loop3A_44, %parallel_loop3A_45 : i32
      %parallel_loop3A_47 = arith.index_cast %parallel_loop3A_46 : i32 to index
      %parallel_loop3A_48 = tpu.vector_load %arg5[%parallel_loop3A_47] {strides = array<i32>} : memref<6400xi32, #tpu.memory_space<vmem>>, vector<16xi32>,
      %parallel_loop3A_49 = vector.shape_cast %parallel_loop3A_48 : vector<16xi32> to vector<16xi32>
      %parallel_loop3A_50 = arith.constant -8 : i32
      %parallel_loop3A_51 = vector.broadcast %parallel_loop3A_50 : i32 to vector<16xi32>
      %parallel_loop3A_52 = arith.andi %parallel_loop3A_49, %parallel_loop3A_51 : vector<16xi32>
      %parallel_loop3A_53 = arith.constant 10 : i32
      %parallel_loop3A_54 = vector.broadcast %parallel_loop3A_53 : i32 to vector<16xi32>
      %parallel_loop3A_55 = arith.shli %parallel_loop3A_52, %parallel_loop3A_54 : vector<16xi32>
      %parallel_loop3A_56 = arith.constant 7 : i32
      %parallel_loop3A_57 = vector.broadcast %parallel_loop3A_56 : i32 to vector<16xi32>
      %parallel_loop3A_58 = arith.andi %parallel_loop3A_49, %parallel_loop3A_57 : vector<16xi32>
      %parallel_loop3A_59 = arith.constant 7 : i32
      %parallel_loop3A_60 = vector.broadcast %parallel_loop3A_59 : i32 to vector<16xi32>
      %parallel_loop3A_61 = arith.shli %parallel_loop3A_58, %parallel_loop3A_60 : vector<16xi32>
      %parallel_loop3A_62 = arith.addi %parallel_loop3A_55, %parallel_loop3A_61 : vector<16xi32>
      %parallel_loop3A_63 = arith.addi %mul3A_2, %parallel_loop3A_46 : i32
      %parallel_loop3A_64 = arith.constant 7295 : i32
      %parallel_loop3A_65 = arith.andi %parallel_loop3A_63, %parallel_loop3A_64 : i32
      %parallel_loop3A_66 = vector.broadcast %parallel_loop3A_65 : i32 to vector<16xi32>
      %parallel_loop3A_67 = arith.addi %parallel_loop3A_66, %iota3A : vector<16xi32>
      %parallel_loop3A_68 = arith.addi %parallel_loop3A_62, %parallel_loop3A_67 : vector<16xi32>
      %parallel_loop3A_69 = arith.index_cast %parallel_loop3A_46 : i32 to index
      %parallel_loop3A_70 = tpu.vector_load %arg6[%parallel_loop3A_69] {strides = array<i32>} : memref<6400xi32, #tpu.memory_space<vmem>>, vector<16xi32>,
      %parallel_loop3A_71 = vector.shape_cast %parallel_loop3A_70 : vector<16xi32> to vector<16xi32>
      %parallel_loop3A_72 = vector.shape_cast %parallel_loop3A_68 : vector<16xi32> to vector<16xi32>
      tpu.vector_store %arg6[%parallel_loop3A_69], %parallel_loop3A_72 {strides = array<i32>} : memref<6400xi32, #tpu.memory_space<vmem>>, vector<16xi32>,
    } {sc.loop_unroll_factor = 8 : i64, sc.parallel_access}
    %dma_start3A = arith.constant 0 : i32
    %dma_start3A_5 = tpu.memref_slice %arg7[%dma_start3A] : memref<6400xf32, #tpu.memory_space<vmem>> -> memref<3200xf32, #tpu.memory_space<vmem>>
    %dma_start3A_6 = arith.constant 0 : i32
    %dma_start3A_7 = tpu.memref_slice %arg6[%dma_start3A_6] : memref<6400xi32, #tpu.memory_space<vmem>> -> memref<3200xi32, #tpu.memory_space<vmem>>
    %dma_start3A_8 = arith.constant 0 : i32
    %dma_start3A_9 = tpu.memref_slice %arg3[%dma_start3A_8] : memref<102400000xf32, #tpu.memory_space<hbm>> -> memref<102400000xf32, #tpu.memory_space<hbm>>
    tpu.enqueue_indirect_dma source(%dma_start3A_9 : memref<102400000xf32, #tpu.memory_space<hbm>>) target(%dma_start3A_5 : memref<3200xf32, #tpu.memory_space<vmem>>) offsets(%dma_start3A_7 : memref<3200xi32, #tpu.memory_space<vmem>>) semaphore(%arg8 : memref<!tpu.dma_semaphore, #tpu.memory_space<semaphore_mem>>)
    %parallel_loop3A_10 = arith.constant 200 : i32
    %parallel_loop3A_11 = arith.constant 400 : i32
    %parallel_loop3A_12 = arith.constant 1 : i32
    scf.for %parallel_loop3A_44 = %parallel_loop3A_10 to %parallel_loop3A_11 step %parallel_loop3A_12  : i32 {
      %parallel_loop3A_45 = arith.constant 16 : i32
      %parallel_loop3A_46 = arith.muli %parallel_loop3A_44, %parallel_loop3A_45 : i32
      %parallel_loop3A_47 = arith.index_cast %parallel_loop3A_46 : i32 to index
      %parallel_loop3A_48 = tpu.vector_load %arg5[%parallel_loop3A_47] {strides = array<i32>} : memref<6400xi32, #tpu.memory_space<vmem>>, vector<16xi32>,
      %parallel_loop3A_49 = vector.shape_cast %parallel_loop3A_48 : vector<16xi32> to vector<16xi32>
      %parallel_loop3A_50 = arith.constant -8 : i32
      %parallel_loop3A_51 = vector.broadcast %parallel_loop3A_50 : i32 to vector<16xi32>
      %parallel_loop3A_52 = arith.andi %parallel_loop3A_49, %parallel_loop3A_51 : vector<16xi32>
      %parallel_loop3A_53 = arith.constant 10 : i32
      %parallel_loop3A_54 = vector.broadcast %parallel_loop3A_53 : i32 to vector<16xi32>
      %parallel_loop3A_55 = arith.shli %parallel_loop3A_52, %parallel_loop3A_54 : vector<16xi32>
      %parallel_loop3A_56 = arith.constant 7 : i32
      %parallel_loop3A_57 = vector.broadcast %parallel_loop3A_56 : i32 to vector<16xi32>
      %parallel_loop3A_58 = arith.andi %parallel_loop3A_49, %parallel_loop3A_57 : vector<16xi32>
      %parallel_loop3A_59 = arith.constant 7 : i32
      %parallel_loop3A_60 = vector.broadcast %parallel_loop3A_59 : i32 to vector<16xi32>
      %parallel_loop3A_61 = arith.shli %parallel_loop3A_58, %parallel_loop3A_60 : vector<16xi32>
      %parallel_loop3A_62 = arith.addi %parallel_loop3A_55, %parallel_loop3A_61 : vector<16xi32>
      %parallel_loop3A_63 = arith.addi %mul3A_2, %parallel_loop3A_46 : i32
      %parallel_loop3A_64 = arith.constant 7295 : i32
      %parallel_loop3A_65 = arith.andi %parallel_loop3A_63, %parallel_loop3A_64 : i32
      %parallel_loop3A_66 = vector.broadcast %parallel_loop3A_65 : i32 to vector<16xi32>
      %parallel_loop3A_67 = arith.addi %parallel_loop3A_66, %iota3A : vector<16xi32>
      %parallel_loop3A_68 = arith.addi %parallel_loop3A_62, %parallel_loop3A_67 : vector<16xi32>
      %parallel_loop3A_69 = arith.index_cast %parallel_loop3A_46 : i32 to index
      %parallel_loop3A_70 = tpu.vector_load %arg6[%parallel_loop3A_69] {strides = array<i32>} : memref<6400xi32, #tpu.memory_space<vmem>>, vector<16xi32>,
      %parallel_loop3A_71 = vector.shape_cast %parallel_loop3A_70 : vector<16xi32> to vector<16xi32>
      %parallel_loop3A_72 = vector.shape_cast %parallel_loop3A_68 : vector<16xi32> to vector<16xi32>
      tpu.vector_store %arg6[%parallel_loop3A_69], %parallel_loop3A_72 {strides = array<i32>} : memref<6400xi32, #tpu.memory_space<vmem>>, vector<16xi32>,
    } {sc.loop_unroll_factor = 8 : i64, sc.parallel_access}
    %dma_start3A_13 = arith.constant 3200 : i32
    %dma_start3A_14 = tpu.memref_slice %arg7[%dma_start3A_13] : memref<6400xf32, #tpu.memory_space<vmem>> -> memref<3200xf32, #tpu.memory_space<vmem>>
    %dma_start3A_15 = arith.constant 3200 : i32
    %dma_start3A_16 = tpu.memref_slice %arg6[%dma_start3A_15] : memref<6400xi32, #tpu.memory_space<vmem>> -> memref<3200xi32, #tpu.memory_space<vmem>>
    %dma_start3A_17 = arith.constant 0 : i32
    %dma_start3A_18 = tpu.memref_slice %arg3[%dma_start3A_17] : memref<102400000xf32, #tpu.memory_space<hbm>> -> memref<102400000xf32, #tpu.memory_space<hbm>>
    tpu.enqueue_indirect_dma source(%dma_start3A_18 : memref<102400000xf32, #tpu.memory_space<hbm>>) target(%dma_start3A_14 : memref<3200xf32, #tpu.memory_space<vmem>>) offsets(%dma_start3A_16 : memref<3200xi32, #tpu.memory_space<vmem>>) semaphore(%arg9 : memref<!tpu.dma_semaphore, #tpu.memory_space<semaphore_mem>>)
    %dma_wait3A = arith.constant 0 : i32
    %dma_wait3A_19 = tpu.memref_slice %arg7[%dma_wait3A] : memref<6400xf32, #tpu.memory_space<vmem>> -> memref<3200xf32, #tpu.memory_space<vmem>>
    %dma_wait3A_20 = arith.constant 0 : i32
    %dma_wait3A_21 = tpu.memref_slice %arg3[%dma_wait3A_20] : memref<102400000xf32, #tpu.memory_space<hbm>> -> memref<3200xf32, #tpu.memory_space<hbm>>
    %dma_wait3A_22 = arith.constant 0 : i32
    %dma_wait3A_23 = tpu.memref_slice %arg7[%dma_wait3A_22] : memref<6400xf32, #tpu.memory_space<vmem>> -> memref<3200xf32, #tpu.memory_space<vmem>>
    %dma_wait3A_24 = arith.constant 0 : i32
    %dma_wait3A_25 = tpu.memref_slice %arg3[%dma_wait3A_24] : memref<102400000xf32, #tpu.memory_space<hbm>> -> memref<3200xf32, #tpu.memory_space<hbm>>
    tpu.wait_dma2 semaphore(%arg8 : memref<!tpu.dma_semaphore, #tpu.memory_space<semaphore_mem>>) src(%dma_wait3A_25 : memref<3200xf32, #tpu.memory_space<hbm>>) dst(%dma_wait3A_23 : memref<3200xf32, #tpu.memory_space<vmem>>)
    %parallel_loop3A_26 = arith.constant 0 : i32
    %parallel_loop3A_27 = arith.constant 200 : i32
    %parallel_loop3A_28 = arith.constant 1 : i32
    scf.for %parallel_loop3A_44 = %parallel_loop3A_26 to %parallel_loop3A_27 step %parallel_loop3A_28  : i32 {
      %parallel_loop3A_45 = arith.constant 16 : i32
      %parallel_loop3A_46 = arith.muli %parallel_loop3A_44, %parallel_loop3A_45 : i32
      %parallel_loop3A_47 = arith.index_cast %parallel_loop3A_46 : i32 to index
      %parallel_loop3A_48 = tpu.vector_load %arg7[%parallel_loop3A_47] {strides = array<i32>} : memref<6400xf32, #tpu.memory_space<vmem>>, vector<16xf32>,
      %parallel_loop3A_49 = vector.shape_cast %parallel_loop3A_48 : vector<16xf32> to vector<16xf32>
      %parallel_loop3A_50 = arith.index_cast %parallel_loop3A_46 : i32 to index
      %parallel_loop3A_51 = tpu.vector_load %arg5[%parallel_loop3A_50] {strides = array<i32>} : memref<6400xi32, #tpu.memory_space<vmem>>, vector<16xi32>,
      %parallel_loop3A_52 = vector.shape_cast %parallel_loop3A_51 : vector<16xi32> to vector<16xi32>
      %parallel_loop3A_53 = arith.sitofp %parallel_loop3A_52 : vector<16xi32> to vector<16xf32>
      %parallel_loop3A_54 = arith.addf %parallel_loop3A_49, %parallel_loop3A_53 : vector<16xf32>
      %parallel_loop3A_55 = arith.index_cast %parallel_loop3A_46 : i32 to index
      %parallel_loop3A_56 = tpu.vector_load %arg7[%parallel_loop3A_55] {strides = array<i32>} : memref<6400xf32, #tpu.memory_space<vmem>>, vector<16xf32>,
      %parallel_loop3A_57 = vector.shape_cast %parallel_loop3A_56 : vector<16xf32> to vector<16xf32>
      %parallel_loop3A_58 = vector.shape_cast %parallel_loop3A_54 : vector<16xf32> to vector<16xf32>
      tpu.vector_store %arg7[%parallel_loop3A_55], %parallel_loop3A_58 {strides = array<i32>} : memref<6400xf32, #tpu.memory_space<vmem>>, vector<16xf32>,
    } {sc.loop_unroll_factor = 8 : i64, sc.parallel_access}
    %add3A_29 = arith.constant 0 : i32
    %add3A_30 = arith.addi %mul3A_2, %add3A_29 : i32
    "tpu.region"() ({
      %run_scoped3A = tpu.sem_alloc : memref<!tpu.dma_semaphore, #tpu.memory_space<semaphore_mem>>
      %dma_start3A_44 = arith.constant 0 : i32
      %dma_start3A_45 = tpu.memref_slice %arg7[%dma_start3A_44] : memref<6400xf32, #tpu.memory_space<vmem>> -> memref<3200xf32, #tpu.memory_space<vmem>>
      %dma_start3A_46 = tpu.memref_slice %arg4[%add3A_30] : memref<204800xf32, #tpu.memory_space<hbm>> -> memref<3200xf32, #tpu.memory_space<hbm>>
      %dma_start3A_47 = tpu.memref_slice %arg4[%add3A_30] : memref<204800xf32, #tpu.memory_space<hbm>> -> memref<3200xf32, #tpu.memory_space<hbm>>
      %dma_start3A_48 = arith.constant 0 : i32
      %dma_start3A_49 = tpu.memref_slice %arg7[%dma_start3A_48] : memref<6400xf32, #tpu.memory_space<vmem>> -> memref<3200xf32, #tpu.memory_space<vmem>>
      tpu.enqueue_dma source(%dma_start3A_49 : memref<3200xf32, #tpu.memory_space<vmem>>) target(%dma_start3A_47 : memref<3200xf32, #tpu.memory_space<hbm>>) target_semaphore(%run_scoped3A : memref<!tpu.dma_semaphore, #tpu.memory_space<semaphore_mem>>)
      %dma_wait3A_50 = arith.constant 0 : i32
      %dma_wait3A_51 = tpu.memref_slice %arg7[%dma_wait3A_50] : memref<6400xf32, #tpu.memory_space<vmem>> -> memref<3200xf32, #tpu.memory_space<vmem>>
      %dma_wait3A_52 = tpu.memref_slice %arg4[%add3A_30] : memref<204800xf32, #tpu.memory_space<hbm>> -> memref<3200xf32, #tpu.memory_space<hbm>>
      %dma_wait3A_53 = tpu.memref_slice %arg4[%add3A_30] : memref<204800xf32, #tpu.memory_space<hbm>> -> memref<3200xf32, #tpu.memory_space<hbm>>
      %dma_wait3A_54 = arith.constant 0 : i32
      %dma_wait3A_55 = tpu.memref_slice %arg7[%dma_wait3A_54] : memref<6400xf32, #tpu.memory_space<vmem>> -> memref<3200xf32, #tpu.memory_space<vmem>>
      tpu.wait_dma2 semaphore(%run_scoped3A : memref<!tpu.dma_semaphore, #tpu.memory_space<semaphore_mem>>) src(%dma_wait3A_55 : memref<3200xf32, #tpu.memory_space<vmem>>) dst(%dma_wait3A_53 : memref<3200xf32, #tpu.memory_space<hbm>>)
      tpu.yield
    }) : () -> ()
    %dma_wait3A_31 = arith.constant 3200 : i32
    %dma_wait3A_32 = tpu.memref_slice %arg7[%dma_wait3A_31] : memref<6400xf32, #tpu.memory_space<vmem>> -> memref<3200xf32, #tpu.memory_space<vmem>>
    %dma_wait3A_33 = arith.constant 0 : i32
    %dma_wait3A_34 = tpu.memref_slice %arg3[%dma_wait3A_33] : memref<102400000xf32, #tpu.memory_space<hbm>> -> memref<3200xf32, #tpu.memory_space<hbm>>
    %dma_wait3A_35 = arith.constant 3200 : i32
    %dma_wait3A_36 = tpu.memref_slice %arg7[%dma_wait3A_35] : memref<6400xf32, #tpu.memory_space<vmem>> -> memref<3200xf32, #tpu.memory_space<vmem>>
    %dma_wait3A_37 = arith.constant 0 : i32
    %dma_wait3A_38 = tpu.memref_slice %arg3[%dma_wait3A_37] : memref<102400000xf32, #tpu.memory_space<hbm>> -> memref<3200xf32, #tpu.memory_space<hbm>>
    tpu.wait_dma2 semaphore(%arg9 : memref<!tpu.dma_semaphore, #tpu.memory_space<semaphore_mem>>) src(%dma_wait3A_38 : memref<3200xf32, #tpu.memory_space<hbm>>) dst(%dma_wait3A_36 : memref<3200xf32, #tpu.memory_space<vmem>>)
    %parallel_loop3A_39 = arith.constant 200 : i32
    %parallel_loop3A_40 = arith.constant 400 : i32
    %parallel_loop3A_41 = arith.constant 1 : i32
    scf.for %parallel_loop3A_44 = %parallel_loop3A_39 to %parallel_loop3A_40 step %parallel_loop3A_41  : i32 {
      %parallel_loop3A_45 = arith.constant 16 : i32
      %parallel_loop3A_46 = arith.muli %parallel_loop3A_44, %parallel_loop3A_45 : i32
      %parallel_loop3A_47 = arith.index_cast %parallel_loop3A_46 : i32 to index
      %parallel_loop3A_48 = tpu.vector_load %arg7[%parallel_loop3A_47] {strides = array<i32>} : memref<6400xf32, #tpu.memory_space<vmem>>, vector<16xf32>,
      %parallel_loop3A_49 = vector.shape_cast %parallel_loop3A_48 : vector<16xf32> to vector<16xf32>
      %parallel_loop3A_50 = arith.index_cast %parallel_loop3A_46 : i32 to index
      %parallel_loop3A_51 = tpu.vector_load %arg5[%parallel_loop3A_50] {strides = array<i32>} : memref<6400xi32, #tpu.memory_space<vmem>>, vector<16xi32>,
      %parallel_loop3A_52 = vector.shape_cast %parallel_loop3A_51 : vector<16xi32> to vector<16xi32>
      %parallel_loop3A_53 = arith.sitofp %parallel_loop3A_52 : vector<16xi32> to vector<16xf32>
      %parallel_loop3A_54 = arith.addf %parallel_loop3A_49, %parallel_loop3A_53 : vector<16xf32>
      %parallel_loop3A_55 = arith.index_cast %parallel_loop3A_46 : i32 to index
      %parallel_loop3A_56 = tpu.vector_load %arg7[%parallel_loop3A_55] {strides = array<i32>} : memref<6400xf32, #tpu.memory_space<vmem>>, vector<16xf32>,
      %parallel_loop3A_57 = vector.shape_cast %parallel_loop3A_56 : vector<16xf32> to vector<16xf32>
      %parallel_loop3A_58 = vector.shape_cast %parallel_loop3A_54 : vector<16xf32> to vector<16xf32>
      tpu.vector_store %arg7[%parallel_loop3A_55], %parallel_loop3A_58 {strides = array<i32>} : memref<6400xf32, #tpu.memory_space<vmem>>, vector<16xf32>,
    } {sc.loop_unroll_factor = 8 : i64, sc.parallel_access}
    %add3A_42 = arith.constant 3200 : i32
    %add3A_43 = arith.addi %mul3A_2, %add3A_42 : i32
    "tpu.region"() ({
      %run_scoped3A = tpu.sem_alloc : memref<!tpu.dma_semaphore, #tpu.memory_space<semaphore_mem>>
      %dma_start3A_44 = arith.constant 3200 : i32
      %dma_start3A_45 = tpu.memref_slice %arg7[%dma_start3A_44] : memref<6400xf32, #tpu.memory_space<vmem>> -> memref<3200xf32, #tpu.memory_space<vmem>>
      %dma_start3A_46 = tpu.memref_slice %arg4[%add3A_43] : memref<204800xf32, #tpu.memory_space<hbm>> -> memref<3200xf32, #tpu.memory_space<hbm>>
      %dma_start3A_47 = tpu.memref_slice %arg4[%add3A_43] : memref<204800xf32, #tpu.memory_space<hbm>> -> memref<3200xf32, #tpu.memory_space<hbm>>
      %dma_start3A_48 = arith.constant 3200 : i32
      %dma_start3A_49 = tpu.memref_slice %arg7[%dma_start3A_48] : memref<6400xf32, #tpu.memory_space<vmem>> -> memref<3200xf32, #tpu.memory_space<vmem>>
      tpu.enqueue_dma source(%dma_start3A_49 : memref<3200xf32, #tpu.memory_space<vmem>>) target(%dma_start3A_47 : memref<3200xf32, #tpu.memory_space<hbm>>) target_semaphore(%run_scoped3A : memref<!tpu.dma_semaphore, #tpu.memory_space<semaphore_mem>>)
      %dma_wait3A_50 = arith.constant 3200 : i32
      %dma_wait3A_51 = tpu.memref_slice %arg7[%dma_wait3A_50] : memref<6400xf32, #tpu.memory_space<vmem>> -> memref<3200xf32, #tpu.memory_space<vmem>>
      %dma_wait3A_52 = tpu.memref_slice %arg4[%add3A_43] : memref<204800xf32, #tpu.memory_space<hbm>> -> memref<3200xf32, #tpu.memory_space<hbm>>
      %dma_wait3A_53 = tpu.memref_slice %arg4[%add3A_43] : memref<204800xf32, #tpu.memory_space<hbm>> -> memref<3200xf32, #tpu.memory_space<hbm>>
      %dma_wait3A_54 = arith.constant 3200 : i32
      %dma_wait3A_55 = tpu.memref_slice %arg7[%dma_wait3A_54] : memref<6400xf32, #tpu.memory_space<vmem>> -> memref<3200xf32, #tpu.memory_space<vmem>>
      tpu.wait_dma2 semaphore(%run_scoped3A : memref<!tpu.dma_semaphore, #tpu.memory_space<semaphore_mem>>) src(%dma_wait3A_55 : memref<3200xf32, #tpu.memory_space<vmem>>) dst(%dma_wait3A_53 : memref<3200xf32, #tpu.memory_space<hbm>>)
      tpu.yield
    }) : () -> ()
    return
  }
}

</mosaic_0001>

<sc_bundles>
// kernel: kernel.3.cloned.1.call-start
scs
__scs_entry_jumppad:
0x0: {  	(pc) =	sbr.rel $0x88, $3  }
0x1: {  	(tag) =	ssettag $0x0;
	lr =	simm.s32 $0x1  }
0x2: {  	[smem:$0x3F9F] =	sst lr;
	_ =	strace $0xD0000000  }
0x3: {  	_ = 	snop  }
0x4: {  	_ = 	snop  }
0x5: {  	_ = 	snop  }
0x6: {  	_ = 	snop  }
0x7: {  	_ = 	snop  }
__scs_overlays_trampoline_lowered:
0x8: {  	[smem:$0x3FAE] =	sst s0  }
0x9: {  	[smem:$0x3FAF] =	sst s1  }
0xa: {  	[smem:$0x3FB0] =	sst s2  }
0xb: {  	[smem:$0x3FB1] =	sst s3  }
0xc: {  	[smem:$0x3FB2] =	sst s4  }
0xd: {  	[smem:$0x3FB3] =	sst s5  }
0xe: {  	[smem:$0x3FB4] =	sst s6  }
0xf: {  	[smem:$0x3FB5] =	sst s7  }
0x10: {  	[smem:$0x3FB6] =	sst s8  }
0x11: {  	[smem:$0x3FB7] =	sst s9;
	s0 =	simm.s32 @!p0 $0x0  }
0x12: {  	s1 =	sld [smem:$0x3F9D];
	s0 =	simm.s32 @p0 $0x1  }
0x13: {  	[smem:$0x3FB8] =	sst s0;
	s0 =	simm.s32 @!p1 $0x0  }
0x14: {  	s2 =	sld [smem:$0x3F9C];
	s0 =	simm.s32 @p1 $0x1  }
0x15: {  	[smem:$0x3FB9] =	sst s0;
	s0 =	simm.s32 @!p2 $0x0  }
0x16: {  	s3 =	sld [smem:$0x3FDB];
	s0 =	simm.s32 @p2 $0x1  }
0x17: {  	s4 =	simm.s32 $0x1BF5;
	[smem:$0x3FBB] =	sst s0  }
0x18: {  	s0 =	sld [smem:$0x3F9E];
	_ =	swait.ge [sflag:s4], $0x0  }
0x19: {  	s7 =	sld [smem:$0x3F9F]  }
0x1a: {  	s8 =	sadd.s32 $0xFFFFE003, lr  }
0x1b: {  	s9 =	sadd.s32 $0xFFFFFEF7, lr;
	s5 =	simm.s32 $0xFFFFFFFF;
	p2 =	slt.u32 s8, $0xFFFFF086  }
0x1c: {  	p1 =	slt.u32 s9, $0xF7A;
	s5 =	simm.s32 @!p2 $0x0  }
0x1d: {  	s5 =	simm.s32 @p1 $0x1;
	p0 =	seq.s32 s7, s2  }
0x1e: {  	s7 =	smul.u32 @!p0 $0xF7A, s2;
	p2 =	seq.s32 @!p0 s5, $0x0  }
0x1f: {  	s9 =	smul.u32 $0xF7A, s1;
	s8 =	simm.s32 @!p0 $0x1BF5;
	p2 =	por !p2, p0  }
0x20: {  	[sflag:s8] =	ssyncset.s32 @!p0 $0xFFFFF086;
	s6 =	sadd.s32 @!p0 s3, s7;
	s7 =	simm.s32 @!p0 $0x108  }
0x21: {  	s3 =	sadd.s32 s3, s9;
	s6 =	sadd.s32 @!p0 $0x88, s6;
	s7 =	simm.s32 @p2 $0x1082  }
0x22: {  	[simem:s7], [sflag:s8] =	dma.local @!p0 [hbm:s6], $0xF7A  }
0x23: {  	s9 =	sor.u32 $0xD0000000, s2;
	s6 =	simm.s32 $0x108;
	_ =	swait.ge @!p0 [sflag:s8], $0x0  }
0x24: {  	s3 =	sadd.s32 $0x88, s3;
	s6 =	simm.s32 @!p1 $0x1082;
	[sflag:s4] =	ssyncset.s32 $0xFFFFF086  }
0x25: {  	[simem:s6], [sflag:s4] =	dma.local [hbm:s3], $0xF7A  }
0x26: {  	[smem:$0x3F9F] =	sst s1;
	(tag) =	ssettag s2;
	_ =	strace s9  }
0x27: {  	s1 =	sld [smem:$0x3FAF]  }
0x28: {  	s2 =	sld [smem:$0x3FB0]  }
0x29: {  	s4 =	sld [smem:$0x3FB2]  }
0x2a: {  	p0 =	seq.s32 s5, $0x0;
	s5 =	sld [smem:$0x3FB3]  }
0x2b: {  	s6 =	sld [smem:$0x3FB4]  }
0x2c: {  	s7 =	sld [smem:$0x3FB5]  }
0x2d: {  	s3 =	simm.s32 $0x108;
	s8 =	sld [smem:$0x3FB6]  }
0x2e: {  	s3 =	simm.s32 @!p0 $0x1082;
	s9 =	sld [smem:$0x3FB7]  }
0x2f: {  	lr =	sadd.s32 s0, s3;
	s0 =	sld [smem:$0x3FAE]  }
0x30: {  	s3 =	sld [smem:$0x3FB1]  }
0x31: {  	[smem:$0x3FBA] =	sst s10  }
0x32: {  	s10 =	sld [smem:$0x3FB8];
	_ =	sdelay $0x3  }
0x33: {  	p0 =	seq.s32 s10, $0x1;
	s10 =	sld [smem:$0x3FBA];
	_ =	sdelay $0x3  }
0x34: {  	[smem:$0x3FBA] =	sst s10  }
0x35: {  	s10 =	sld [smem:$0x3FB9];
	_ =	sdelay $0x3  }
0x36: {  	p1 =	seq.s32 s10, $0x1;
	s10 =	sld [smem:$0x3FBA];
	_ =	sdelay $0x3  }
0x37: {  	[smem:$0x3FBA] =	sst s10  }
0x38: {  	s10 =	sld [smem:$0x3FBB]  }
0x39: {  	_ = 	snop;
	(pc) =	sbr.ind lr, $3  }
0x3a: {  	_ = 	snop  }
0x3b: {  	_ = 	snop  }
0x3c: {  	p2 =	seq.s32 s10, $0x1;
	s10 =	sld [smem:$0x3FBA]  }
0x3d: {  	_ =	shalt  }
0x3e: {  	_ =	shalt  }
0x3f: {  	_ =	shalt  }
0x40: {  	_ =	shalt  }
0x41: {  	_ =	shalt  }
0x42: {  	_ =	shalt  }
0x43: {  	_ =	shalt  }
0x44: {  	_ =	shalt  }
0x45: {  	_ =	shalt  }
0x46: {  	_ =	shalt  }
0x47: {  	_ =	shalt  }
0x48: {  	_ =	shalt  }
0x49: {  	_ =	shalt  }
0x4a: {  	_ =	shalt  }
0x4b: {  	_ =	shalt  }
0x4c: {  	_ =	shalt  }
0x4d: {  	_ =	shalt  }
0x4e: {  	_ =	shalt  }
0x4f: {  	_ =	shalt  }
0x50: {  	_ =	shalt  }
0x51: {  	_ =	shalt  }
0x52: {  	_ =	shalt  }
0x53: {  	_ =	shalt  }
0x54: {  	_ =	shalt  }
0x55: {  	_ =	shalt  }
0x56: {  	_ =	shalt  }
0x57: {  	_ =	shalt  }
0x58: {  	_ =	shalt  }
0x59: {  	_ =	shalt  }
0x5a: {  	_ =	shalt  }
0x5b: {  	_ =	shalt  }
0x5c: {  	_ =	shalt  }
0x5d: {  	_ =	shalt  }
0x5e: {  	_ =	shalt  }
0x5f: {  	_ =	shalt  }
0x60: {  	_ =	shalt  }
0x61: {  	_ =	shalt  }
0x62: {  	_ =	shalt  }
0x63: {  	_ =	shalt  }
0x64: {  	_ =	shalt  }
0x65: {  	_ =	shalt  }
0x66: {  	_ =	shalt  }
0x67: {  	_ =	shalt  }
0x68: {  	_ =	shalt  }
0x69: {  	_ =	shalt  }
0x6a: {  	_ =	shalt  }
0x6b: {  	_ =	shalt  }
0x6c: {  	_ =	shalt  }
0x6d: {  	_ =	shalt  }
0x6e: {  	_ =	shalt  }
0x6f: {  	_ =	shalt  }
0x70: {  	_ =	shalt  }
0x71: {  	_ =	shalt  }
0x72: {  	_ =	shalt  }
0x73: {  	_ =	shalt  }
0x74: {  	_ =	shalt  }
0x75: {  	_ =	shalt  }
0x76: {  	_ =	shalt  }
0x77: {  	_ =	shalt  }
0x78: {  	_ =	shalt  }
0x79: {  	_ =	shalt  }
0x7a: {  	_ =	shalt  }
0x7b: {  	_ =	shalt  }
0x7c: {  	_ =	shalt  }
0x7d: {  	_ =	shalt  }
0x7e: {  	_ =	shalt  }
0x7f: {  	_ =	shalt  }
0x80: {  	_ =	shalt  }
0x81: {  	_ =	shalt  }
0x82: {  	_ =	shalt  }
0x83: {  	_ =	shalt  }
0x84: {  	_ =	shalt  }
0x85: {  	_ =	shalt  }
0x86: {  	_ =	shalt  }
0x87: {  	_ =	shalt  }
.Lfunc_end0:
.L_simem_size_0:
called_computation_lowered:
.L_overlay_start_0:
0x88: {  	s2 =	sld [smem:$0x3FD9]  }
0x89: {  	s3 =	sld [smem:$0x3FFE];
	_ =	sdelay $0x1  }
0x8a: {  	s1 =	srdreg.scid  }
0x8b: {  	s0 =	sand.u32 $0x1, s1  }
0x8c: {  	s18 =	sshll.u32 s0, $0xA;
	s2 =	sadd.s32 s3, s2  }
0x8d: {  	s2 =	sadd.s32 s2, s18  }
0x8e: {  	[smem:$0x3FC6] =	sst s2  }
0x8f: {  	_ = 	snop  }
0x90: {  	s2 =	sld [smem:$0x3FC9]  }
0x91: {  	s19 =	sld [smem:$0x3FC8]  }
0x92: {  	s4 =	sld [smem:$0x3FD0];
	(tm) =	ssettm $0x1  }
0x93: {  	s5 =	sld [smem:$0x3FFB];
	_ =	sdelay $0x3  }
0x94: {  	_ =	strace s5  }
0x95: {  	s5 =	sld [smem:$0x3FFC];
	_ =	sdelay $0x3  }
0x96: {  	_ =	strace s5  }
0x97: {  	s5 =	sld [smem:$0x3FFD];
	_ =	sdelay $0x3  }
0x98: {  	_ =	strace s5  }
0x99: {  	_ =	strace $0x8FFFFFFF  }
0x9a: {  	s20 =	sld [smem:$0x3FDB];
	_ =	sdelay $0x1  }
0x9b: {  	s6 =	simm.s32 $_scs_section_size  }
0x9c: {  	s7 =	simm.s32 $_size__tile_overlayer_lowered;
	s8 =	simm.s32 $_tile_overlayer_lowered  }
0x9d: {  	s23 =	simm.s32 $0x1BFF;
	s22 =	sshll.u32 s8, $0x1;
	s5 =	sadd.s32 s6, s20  }
0x9e: {  	s9 =	simm.s32 $0x0;
	s21 =	sshll.u32 s7, $0x1;
	s7 =	sadd.s32 s22, s5  }
0x9f: {  	[timem:s9], [sflag:s23] =	dma.local [hbm:s7], s21  }
0xa0: {  	_ =	swait.ge [sflag:s23], s21  }
0xa1: {  	s6 =	ssub.s32 $0x0, s21;
	[sflag:s23] =	ssyncset.done $0x0  }
0xa2: {  	[sflag:s23] =	ssyncadd.s32 s6;
	_ =	sdelay $0x1  }
0xa3: {  	s24 =	simm.s32 $0x1B8B  }
0xa4: {  	_ =	swait.ge [sflag:s24], $0x1  }
0xa5: {  	[sflag:s24] =	ssyncset.done $0x0  }
0xa6: {  	s25 =	simm.s32 $0x1B8E;
	[sflag:s24] =	ssyncadd.s32 $0xFFFFFFFF  }
0xa7: {  	s26 =	simm.s32 $execute0_lowered;
	[smem:$0x3FD2] =	sst s25  }
0xa8: {  	s6 =	sshll.u32 s26, $0x1;
	_ =	strace $0x80000046;
	[dreg:$0x1] =	wrdreg $0xFFFFFFFF  }
0xa9: {  	s28 =	simm.s32 $_size_execute0_lowered;
	s5 =	sadd.s32 s5, s6;
	[dreg:$0x0] =	wrdreg $0x0  }
0xaa: {  	s6 =	sshll.u32 s28, $0x1;
	[dreg:$0x2] =	wrdreg s5  }
0xab: {  	[dreg:$0x3] =	wrdreg s6  }
0xac: {  	[dreg:$0x4] =	wrdreg $0xC0  }
0xad: {  	_ =	task [dreg:s9], $0x5FFFF  }
0xae: {  	[dreg:$0x1] =	wrdreg $0xFFFFFFFF  }
0xaf: {  	[dreg:$0x0] =	wrdreg $0x60  }
0xb0: {  	[dreg:$0x2] =	wrdreg s2  }
0xb1: {  	[dreg:$0x3] =	wrdreg s19  }
0xb2: {  	[dreg:$0x4] =	wrdreg s4  }
0xb3: {  	[dreg:$0x5] =	wrdreg $0x9  }
0xb4: {  	_ =	task.clear_ibuf [dreg:s9], $0x6FFFF;
	_ =	strace $0x90000046  }
0xb5: {  	s29 =	simm.s32 $0x9;
	_ =	strace $0x80000048  }
0xb6: {  	_ =	swait.ge [sflag:s29], $0x1  }
0xb7: {  	[sflag:s29] =	ssyncadd.s32 $0xFFFFFFFF  }
0xb8: {  	_ =	strace $0x90000048  }
0xb9: {  	_ =	sfence  }
0xba: {  	s30 =	sld [smem:$0x0];
	_ =	sdelay $0x2  }
0xbb: {  	s31 =	sshll.u32 s1, $0xD;
	s1 =	sshrl.u32 s1, $0x2  }
0xbc: {  	s3 =	sand.u32 $0x4000, s31;
	s1 =	sadd.s32 s1, s30  }
0xbd: {  	s0 =	sor.u32 s3, s0;
	s1 =	sshll.u32 s1, $0x11  }
0xbe: {  	s0 =	sor.u32 s1, s0  }
0xbf: {  	s0 =	sadd.s32 $0x8F2B, s0  }
0xc0: {  	[sflag:s0] =	ssyncadd.remote.s32 $0x1  }
0xc1: {  	_ =	sfence.sel $0xFFFF  }
0xc2: {  	[dreg:$0x0] =	wrdreg $0xFFFFFFFF;
	(pc) =	sbr.abs _section_cstart, $3  }
0xc3: {  	[dreg:$0x1] =	wrdreg $0xFFFFFFFF  }
0xc4: {  	_ =	task.clear_ibuf [dreg:s9], $0x2FFFF;
	_ =	strace $0x9FFFFFFF  }
0xc5: {  	(tm) =	ssettm $0x7FFFFFFF  }
tec
execute0_lowered:
.L_overlay_start_1:
0x0: {  	(tag) =	ssettag $0x1  }
0x1: {  	s5 =	rddreg [dreg:$0x0]  }
0x2: {  	s1 =	srdreg.scid;
	s2 =	rddreg [dreg:$0x1]  }
0x3: {  	s0 =	stileid.u32;
	s6 =	rddreg [dreg:$0x2]  }
0x4: {  	s3 =	simm.s32 $0x0;
	s12 =	simm.s32 $0x1900;
	s13 =	simm.s32 $0x3200  }
0x5: {  	s14 =	simm.s32 $0x2580;
	s15 =	simm.s32 $0x3E80;
	s16 =	simm.s32 $0x1  }
0x6: {  	s17 =	simm.s32 $0x2;
	s18 =	simm.s32 $0x0;
	s4 =	sand.u32 $0x1, s1  }
0x7: {  	s31 =	sshll.u32 s0, $0x1;
	s1 =	rddreg [dreg:$0x3];
	s9 =	smul.u32 $0x3200, s0  }
0x8: {  	s7 =	sor.u32 s4, s31;
	s8 =	ssub.s32 $0x2, s4;
	s11 =	smul.u32 $0x1900, s4  }
0x9: {  	[smem:$0x7FF] =	sst s3;
	s7 =	smul.u32 $0x1900, s7;
	s10 =	sshrl.u32 s8, $0x1  }
0xa: {  	_ =	strace $0x80000047;
	s8 =	ssub.s32 s8, s10;
	s9 =	sadd.s32 s11, s9  }
0xb: {  	s10 =	simm.s32 $0x3;
	s11 =	simm.s32 $0xC80;
	s7 =	sshrl.u32 s7, $0x3  }
0xc: {  	s4 =	sadd.s32 s6, s7;
	s5 =	sadd.s32 s5, s7;
	s7 =	smax.u32 s8, $0x1  }
0xd: {  	v0 =	vlaneseq.u32;
	s8 =	sor.u32 $0x70, s9;
	s9 =	sadd.s32 $0xCF0, s9;
	s6 =	sadd.s32 $0x190, s4  }
.LBB2_1:
0xe: {  	[tilespmem:s3], [sflag:$0x3] =	stream.linear.gather [hbm4b:s5+s3], $0x1900, $0x38;
	[tilespmem:$0x4B00] =	vst v63  }
0xf: {  	_ =	swait.ge [sflag:s10], $0x1900  }
0x10: {  	[sflag:s10] =	ssyncset.done $0x0  }
0x11: {  	s19 =	simm.s32 $0x40;
	[sflag:s10] =	ssyncadd.s32 $0xFFFFE700  }
0x12: {  	v1 =	vld [tilespmem:s19+$0x30]  }
0x13: {  	v2 =	vld [tilespmem:s19+$0xFFFFFFD0]  }
0x14: {  	v3 =	vld [tilespmem:s19+$0xFFFFFFE0]  }
0x15: {  	v4 =	vld [tilespmem:s19+$0xFFFFFFF0]  }
0x16: {  	v10 =	vld [tilespmem:s19+$0xFFFFFFC0];
	_ =	sdelay $0x1  }
0x17: {  	v5 =	vld [tilespmem:s19+$0x0]  }
0x18: {  	v7 =	vshll.u32 v1, $0x7  }
0x19: {  	v8 =	vshll.u32 v2, $0x7;
	v1 =	vshll.u32 v1, $0xA;
	v11 =	vshll.u32 v3, $0x7  }
0x1a: {  	v12 =	vshll.u32 v4, $0x7;
	v15 =	vshll.u32 v2, $0xA;
	v17 =	vshll.u32 v10, $0xA  }
0x1b: {  	v6 =	vld [tilespmem:s19+$0x10];
	v2 =	vshll.u32 v10, $0x7;
	v18 =	vshll.u32 v3, $0xA;
	v19 =	vshll.u32 v4, $0xA  }
0x1c: {  	s20 =	sand.u32 $0x1C70, s8;
	s22 =	sadd.s32 $0xFFFFFFC0, s8;
	v9 =	vld [tilespmem:s19+$0x20];
	v20 =	vshll.u32 v5, $0xA;
	v7 =	vand.u32 $0x380, v7;
	v1 =	vand.u32 $0xFFFFE000, v1  }
0x1d: {  	s22 =	sand.u32 $0x1C30, s22;
	v8 =	vand.u32 $0x380, v8;
	v12 =	vand.u32 $0x380, v12;
	v7 =	vor.u32 s20, v7  }
0x1e: {  	v11 =	vand.u32 $0x380, v11;
	v4 =	vor.u32 s22, v12;
	v1 =	vor.u32 v1, v7  }
0x1f: {  	v12 =	vand.u32 $0xFFFFE000, v18;
	v7 =	vshll.u32 v5, $0x7;
	v13 =	vor.u32 v0, v1  }
0x20: {  	s29 =	sadd.s32 $0xFFFFFF90, s8;
	s21 =	sadd.s32 $0xFFFFFFB0, s8;
	v14 =	vand.u32 $0x380, v7;
	v1 =	vshll.u32 v6, $0x7;
	v7 =	vand.u32 $0x380, v2  }
0x21: {  	s30 =	sadd.s32 $0xFFFFFFA0, s8;
	s23 =	sadd.s32 $0xFFFFFFD0, s8;
	s21 =	sand.u32 $0x1C20, s21;
	v2 =	vshll.u32 v6, $0xA;
	v16 =	vand.u32 $0x380, v1;
	v1 =	vshll.u32 v9, $0x7  }
0x22: {  	s24 =	sadd.s32 $0xFFFFFFE0, s8;
	s19 =	sand.u32 $0x1C00, s29;
	s20 =	sand.u32 $0x1C10, s30;
	v6 =	vor.u32 s21, v11;
	v11 =	vand.u32 $0xFFFFE000, v15;
	v10 =	vand.u32 $0x380, v1  }
0x23: {  	s25 =	sadd.s32 $0xFFFFFFF0, s8;
	s23 =	sand.u32 $0x1C40, s23;
	s24 =	sand.u32 $0x1C50, s24;
	v1 =	vshll.u32 v9, $0xA;
	v9 =	vor.u32 s19, v7;
	v7 =	vor.u32 s20, v8  }
0x24: {  	s31 =	sand.u32 $0x1C60, s25;
	s22 =	simm.s32 $0xC0;
	v8 =	vor.u32 s23, v14;
	v3 =	vor.u32 s24, v16;
	s19 =	simm.s32 $0x1940;
	v14 =	vand.u32 $0xFFFFE000, v17  }
0x25: {  	s21 =	simm.s32 $0x0;
	s23 =	smov.u32 s8;
	s20 =	simm.s32 $0x1940;
	v5 =	vor.u32 s31, v10;
	[tilespmem:s19+$0x30] =	vst v13;
	v10 =	vand.u32 $0xFFFFE000, v19;
	v13 =	vand.u32 $0xFFFFE000, v20  }
.LBB2_2:
0x26: {  	v15 =	vld [tilespmem:s22+$0x30];
	s21 =	sadd.s32 $0x8, s21;
	v9 =	vor.u32 v14, v9;
	v2 =	vand.u32 $0xFFFFE000, v2;
	v1 =	vand.u32 $0xFFFFE000, v1  }
0x27: {  	v7 =	vor.u32 v11, v7;
	v6 =	vor.u32 v12, v6;
	v4 =	vor.u32 v10, v4;
	v14 =	vld [tilespmem:s22+$0xFFFFFFD0];
	p0 =	slt.u32 s21, $0xC0  }
0x28: {  	v8 =	vor.u32 v13, v8;
	v2 =	vor.u32 v2, v3;
	v1 =	vor.u32 v1, v5;
	v10 =	vld [tilespmem:s22+$0xFFFFFFE0]  }
0x29: {  	v5 =	vor.u32 v0, v9;
	v7 =	vor.u32 v0, v7;
	v6 =	vor.u32 v0, v6;
	v3 =	vld [tilespmem:s22+$0xFFFFFFF0]  }
0x2a: {  	v4 =	vor.u32 v0, v4;
	v2 =	vor.u32 v0, v2;
	v9 =	vld [tilespmem:s22+$0x0];
	[tilespmem:s19+$0xFFFFFFC0] =	vst v5;
	v5 =	vor.u32 v0, v8  }
0x2b: {  	s23 =	sadd.s32 $0x80, s23;
	v1 =	vor.u32 v0, v1;
	v8 =	vld [tilespmem:s22+$0x10];
	v11 =	vshll.u32 v15, $0x7;
	[tilespmem:s19+$0xFFFFFFD0] =	vst v7  }
0x2c: {  	s24 =	sadd.s32 $0xFFFFFF90, s23;
	s25 =	sadd.s32 $0xFFFFFFA0, s23;
	s26 =	sand.u32 $0x1C70, s23;
	v13 =	vshll.u32 v15, $0xA;
	v7 =	vshll.u32 v14, $0x7;
	v12 =	vld [tilespmem:s22+$0x20];
	v11 =	vand.u32 $0x380, v11;
	[tilespmem:s19+$0x0] =	vst v5  }
0x2d: {  	s28 =	sadd.s32 $0xFFFFFFB0, s23;
	s29 =	sadd.s32 $0xFFFFFFC0, s23;
	s30 =	sadd.s32 $0xFFFFFFD0, s23;
	v13 =	vand.u32 $0xFFFFE000, v13;
	v5 =	vld [tilespmem:s22+$0xFFFFFFC0];
	v15 =	vshll.u32 v10, $0x7;
	v11 =	vor.u32 s26, v11;
	[tilespmem:s19+$0xFFFFFFE0] =	vst v6  }
0x2e: {  	s31 =	sadd.s32 $0xFFFFFFF0, s23;
	s24 =	sand.u32 $0x1C00, s24;
	v6 =	vand.u32 $0x380, v7;
	s26 =	sadd.s32 $0xFFFFFFE0, s23;
	v7 =	vshll.u32 v3, $0x7;
	v11 =	vor.u32 v13, v11;
	[tilespmem:s19+$0xFFFFFFF0] =	vst v4  }
0x2f: {  	s25 =	sand.u32 $0x1C10, s25;
	s28 =	sand.u32 $0x1C20, s28;
	v4 =	vand.u32 $0x380, v15;
	s19 =	sadd.s32 $0x80, s19;
	v13 =	vshll.u32 v9, $0x7;
	v11 =	vor.u32 v0, v11;
	[tilespmem:s20+$0x10] =	vst v2  }
0x30: {  	s29 =	sand.u32 $0x1C30, s29;
	s30 =	sand.u32 $0x1C40, s30;
	s26 =	sand.u32 $0x1C50, s26;
	v15 =	vand.u32 $0x380, v7;
	v13 =	vand.u32 $0x380, v13;
	v2 =	vshll.u32 v8, $0x7;
	[tilespmem:s19+$0x30] =	vst v11  }
0x31: {  	s31 =	sand.u32 $0x1C60, s31;
	v11 =	vshll.u32 v14, $0xA;
	v14 =	vand.u32 $0x380, v2;
	v2 =	vshll.u32 v12, $0x7;
	[tilespmem:s20+$0x20] =	vst v1;
	s20 =	smov.u32 s19  }
0x32: {  	v16 =	vshll.u32 v5, $0xA;
	v1 =	vshll.u32 v5, $0x7;
	v5 =	vand.u32 $0x380, v2  }
0x33: {  	v10 =	vshll.u32 v10, $0xA;
	v17 =	vshll.u32 v3, $0xA;
	v7 =	vand.u32 $0x380, v1  }
.Ltmp0:
0x34: {  	v18 =	vshll.u32 v9, $0xA;
	v2 =	vshll.u32 v8, $0xA;
	v1 =	vshll.u32 v12, $0xA;
	(pc) =	sbr.rel @p0 .LBB2_2-.Ltmp0, $4  }
0x35: {  	v9 =	vor.u32 s24, v7;
	v7 =	vor.u32 s25, v6;
	v6 =	vor.u32 s28, v4  }
0x36: {  	v8 =	vor.u32 s30, v13;
	v3 =	vor.u32 s26, v14;
	v4 =	vor.u32 s29, v15  }
0x37: {  	v11 =	vand.u32 $0xFFFFE000, v11;
	v14 =	vand.u32 $0xFFFFE000, v16;
	v5 =	vor.u32 s31, v5  }
0x38: {  	s22 =	sadd.s32 $0x80, s22;
	v13 =	vand.u32 $0xFFFFE000, v18;
	v12 =	vand.u32 $0xFFFFE000, v10;
	v10 =	vand.u32 $0xFFFFE000, v17  }
0x39: {  	v9 =	vor.u32 v14, v9  }
0x3a: {  	v7 =	vor.u32 v11, v7;
	v9 =	vor.u32 v0, v9  }
0x3b: {  	v8 =	vor.u32 v13, v8;
	v7 =	vor.u32 v0, v7;
	[tilespmem:s19+$0xFFFFFFC0] =	vst v9  }
0x3c: {  	v6 =	vor.u32 v12, v6;
	v8 =	vor.u32 v0, v8;
	[tilespmem:s19+$0xFFFFFFD0] =	vst v7  }
0x3d: {  	v2 =	vand.u32 $0xFFFFE000, v2;
	v4 =	vor.u32 v10, v4;
	v6 =	vor.u32 v0, v6;
	[tilespmem:s19+$0x0] =	vst v8  }
0x3e: {  	v1 =	vand.u32 $0xFFFFE000, v1;
	v2 =	vor.u32 v2, v3;
	v3 =	vor.u32 v0, v4;
	[tilespmem:s19+$0xFFFFFFE0] =	vst v6  }
0x3f: {  	v1 =	vor.u32 v1, v5;
	v2 =	vor.u32 v0, v2;
	[tilespmem:s19+$0xFFFFFFF0] =	vst v3  }
0x40: {  	v1 =	vor.u32 v0, v1;
	[tilespmem:s20+$0x10] =	vst v2  }
0x41: {  	s26 =	simm.s32 $0xCF0;
	[tilespmem:s20+$0x20] =	vst v1  }
0x42: {  	[tilespmem:s13], [sflag:$0x1] =	stream.indirect.gather [hbm4b:s2+s11], $0x1, s12, s11, $0xb8;
	[tilespmem:$0x4B00] =	vst v63  }
0x43: {  	v1 =	vld [tilespmem:s26+$0x0]  }
0x44: {  	v2 =	vld [tilespmem:s26+$0xFFFFFFA0]  }
0x45: {  	v3 =	vld [tilespmem:s26+$0xFFFFFFB0]  }
0x46: {  	v4 =	vld [tilespmem:s26+$0xFFFFFFC0]  }
0x47: {  	v10 =	vld [tilespmem:s26+$0xFFFFFF90]  }
0x48: {  	v5 =	vld [tilespmem:s26+$0xFFFFFFD0];
	_ =	sdelay $0x1  }
0x49: {  	v7 =	vshll.u32 v1, $0x7  }
0x4a: {  	v8 =	vshll.u32 v2, $0x7;
	v1 =	vshll.u32 v1, $0xA;
	v11 =	vshll.u32 v3, $0x7  }
0x4b: {  	v16 =	vshll.u32 v2, $0xA;
	v17 =	vshll.u32 v10, $0xA;
	v18 =	vshll.u32 v3, $0xA  }
0x4c: {  	v6 =	vld [tilespmem:s26+$0xFFFFFFE0];
	v19 =	vshll.u32 v4, $0xA;
	v20 =	vshll.u32 v5, $0xA;
	v7 =	vand.u32 $0x380, v7  }
0x4d: {  	s28 =	sand.u32 $0x1C70, s9;
	s21 =	sadd.s32 $0xFFFFFFB0, s9;
	v9 =	vld [tilespmem:s26+$0xFFFFFFF0];
	v1 =	vand.u32 $0xFFFFE000, v1;
	v12 =	vand.u32 $0x380, v8;
	v8 =	vshll.u32 v4, $0x7  }
0x4e: {  	s22 =	sadd.s32 $0xFFFFFFC0, s9;
	s21 =	sand.u32 $0x1C20, s21;
	v11 =	vand.u32 $0x380, v11;
	v7 =	vor.u32 s28, v7;
	v14 =	vand.u32 $0x380, v8  }
0x4f: {  	s22 =	sand.u32 $0x1C30, s22;
	v4 =	vor.u32 s21, v11;
	v11 =	vand.u32 $0xFFFFE000, v19;
	v1 =	vor.u32 v1, v7  }
0x50: {  	v7 =	vshll.u32 v5, $0x7;
	v5 =	vor.u32 s22, v14;
	v14 =	vand.u32 $0xFFFFE000, v17  }
0x51: {  	s23 =	sadd.s32 $0xFFFFFFD0, s9;
	v13 =	vor.u32 v0, v1;
	v15 =	vand.u32 $0x380, v7;
	v1 =	vshll.u32 v6, $0x7  }
0x52: {  	s29 =	sadd.s32 $0xFFFFFF90, s9;
	s23 =	sand.u32 $0x1C40, s23;
	v7 =	vshll.u32 v10, $0x7;
	v2 =	vand.u32 $0x380, v1;
	v1 =	vshll.u32 v9, $0x7  }
0x53: {  	s30 =	sadd.s32 $0xFFFFFFA0, s9;
	s24 =	sadd.s32 $0xFFFFFFE0, s9;
	s19 =	sand.u32 $0x1C00, s29;
	v7 =	vand.u32 $0x380, v7;
	v3 =	vor.u32 s23, v15;
	v10 =	vand.u32 $0x380, v1  }
0x54: {  	s25 =	sadd.s32 $0xFFFFFFF0, s9;
	s24 =	sand.u32 $0x1C50, s24;
	s20 =	sand.u32 $0x1C10, s30;
	v1 =	vshll.u32 v6, $0xA;
	v6 =	vshll.u32 v9, $0xA;
	v8 =	vor.u32 s19, v7  }
0x55: {  	s31 =	sand.u32 $0x1C60, s25;
	s21 =	simm.s32 $0xC8;
	v7 =	vor.u32 s20, v12;
	v2 =	vor.u32 s24, v2;
	s19 =	simm.s32 $0x25F0;
	v12 =	vand.u32 $0xFFFFE000, v16  }
0x56: {  	s22 =	simm.s32 $0xD70;
	s23 =	smov.u32 s9;
	s20 =	simm.s32 $0x25F0;
	v9 =	vor.u32 s31, v10;
	[tilespmem:s19+$0x0] =	vst v13;
	v13 =	vand.u32 $0xFFFFE000, v18;
	v10 =	vand.u32 $0xFFFFE000, v20  }
.LBB2_4:
0x57: {  	v15 =	vld [tilespmem:s22+$0x0];
	s21 =	sadd.s32 $0x8, s21;
	v8 =	vor.u32 v14, v8;
	v1 =	vand.u32 $0xFFFFE000, v1;
	v6 =	vand.u32 $0xFFFFE000, v6  }
0x58: {  	v7 =	vor.u32 v12, v7;
	v4 =	vor.u32 v13, v4;
	v5 =	vor.u32 v11, v5;
	v14 =	vld [tilespmem:s22+$0xFFFFFFA0];
	p0 =	slt.u32 s21, $0x188  }
0x59: {  	v3 =	vor.u32 v10, v3;
	v1 =	vor.u32 v1, v2;
	v2 =	vor.u32 v6, v9;
	v11 =	vld [tilespmem:s22+$0xFFFFFFB0]  }
0x5a: {  	v8 =	vor.u32 v0, v8;
	v7 =	vor.u32 v0, v7;
	v4 =	vor.u32 v0, v4;
	v6 =	vld [tilespmem:s22+$0xFFFFFFC0]  }
0x5b: {  	v5 =	vor.u32 v0, v5;
	v3 =	vor.u32 v0, v3;
	v1 =	vor.u32 v0, v1;
	v9 =	vld [tilespmem:s22+$0xFFFFFFD0];
	[tilespmem:s19+$0xFFFFFF90] =	vst v8  }
0x5c: {  	s23 =	sadd.s32 $0x80, s23;
	v2 =	vor.u32 v0, v2;
	v8 =	vld [tilespmem:s22+$0xFFFFFFE0];
	v10 =	vshll.u32 v15, $0x7;
	[tilespmem:s19+$0xFFFFFFA0] =	vst v7  }
0x5d: {  	s24 =	sadd.s32 $0xFFFFFF90, s23;
	s25 =	sadd.s32 $0xFFFFFFA0, s23;
	s26 =	sand.u32 $0x1C70, s23;
	v13 =	vshll.u32 v15, $0xA;
	v7 =	vshll.u32 v14, $0x7;
	v12 =	vld [tilespmem:s22+$0xFFFFFFF0];
	v10 =	vand.u32 $0x380, v10;
	[tilespmem:s19+$0xFFFFFFF0] =	vst v2  }
0x5e: {  	s28 =	sadd.s32 $0xFFFFFFB0, s23;
	s29 =	sadd.s32 $0xFFFFFFC0, s23;
	s30 =	sadd.s32 $0xFFFFFFD0, s23;
	v13 =	vand.u32 $0xFFFFE000, v13;
	v2 =	vld [tilespmem:s22+$0xFFFFFF90];
	v15 =	vshll.u32 v11, $0x7;
	v10 =	vor.u32 s26, v10;
	[tilespmem:s19+$0xFFFFFFB0] =	vst v4  }
0x5f: {  	s31 =	sadd.s32 $0xFFFFFFF0, s23;
	s24 =	sand.u32 $0x1C00, s24;
	v4 =	vand.u32 $0x380, v7;
	s26 =	sadd.s32 $0xFFFFFFE0, s23;
	v7 =	vshll.u32 v6, $0x7;
	v10 =	vor.u32 v13, v10;
	[tilespmem:s19+$0xFFFFFFC0] =	vst v5  }
0x60: {  	s25 =	sand.u32 $0x1C10, s25;
	s28 =	sand.u32 $0x1C20, s28;
	v5 =	vand.u32 $0x380, v15;
	s19 =	sadd.s32 $0x80, s19;
	v13 =	vshll.u32 v9, $0x7;
	v10 =	vor.u32 v0, v10;
	[tilespmem:s20+$0xFFFFFFD0] =	vst v3  }
0x61: {  	s29 =	sand.u32 $0x1C30, s29;
	s30 =	sand.u32 $0x1C40, s30;
	s26 =	sand.u32 $0x1C50, s26;
	v3 =	vand.u32 $0x380, v7;
	v13 =	vand.u32 $0x380, v13;
	v7 =	vshll.u32 v8, $0x7;
	[tilespmem:s19+$0x0] =	vst v10  }
0x62: {  	s31 =	sand.u32 $0x1C60, s31;
	v10 =	vshll.u32 v14, $0xA;
	v14 =	vand.u32 $0x380, v7;
	v7 =	vshll.u32 v12, $0x7;
	[tilespmem:s20+$0xFFFFFFE0] =	vst v1;
	s20 =	smov.u32 s19  }
0x63: {  	v15 =	vshll.u32 v2, $0xA;
	v1 =	vshll.u32 v2, $0x7;
	v16 =	vand.u32 $0x380, v7  }
0x64: {  	v11 =	vshll.u32 v11, $0xA;
	v17 =	vshll.u32 v6, $0xA;
	v2 =	vand.u32 $0x380, v1  }
.Ltmp1:
0x65: {  	v18 =	vshll.u32 v9, $0xA;
	v6 =	vshll.u32 v12, $0xA;
	v1 =	vshll.u32 v8, $0xA;
	(pc) =	sbr.rel @p0 .LBB2_4-.Ltmp1, $4  }
0x66: {  	v7 =	vor.u32 s25, v4;
	v4 =	vor.u32 s28, v5;
	v8 =	vor.u32 s24, v2  }
0x67: {  	v5 =	vor.u32 s29, v3;
	v3 =	vor.u32 s30, v13;
	v2 =	vor.u32 s26, v14  }
0x68: {  	v12 =	vand.u32 $0xFFFFE000, v10;
	v9 =	vor.u32 s31, v16;
	v14 =	vand.u32 $0xFFFFE000, v15  }
0x69: {  	s22 =	sadd.s32 $0x80, s22;
	v10 =	vand.u32 $0xFFFFE000, v18;
	v13 =	vand.u32 $0xFFFFE000, v11;
	v11 =	vand.u32 $0xFFFFE000, v17  }
0x6a: {  	v8 =	vor.u32 v14, v8  }
0x6b: {  	v7 =	vor.u32 v12, v7;
	v8 =	vor.u32 v0, v8  }
0x6c: {  	v4 =	vor.u32 v13, v4;
	v7 =	vor.u32 v0, v7;
	[tilespmem:s19+$0xFFFFFF90] =	vst v8  }
0x6d: {  	v6 =	vand.u32 $0xFFFFE000, v6;
	v5 =	vor.u32 v11, v5;
	v4 =	vor.u32 v0, v4;
	[tilespmem:s19+$0xFFFFFFA0] =	vst v7  }
0x6e: {  	v1 =	vand.u32 $0xFFFFE000, v1;
	v3 =	vor.u32 v10, v3;
	v5 =	vor.u32 v0, v5;
	[tilespmem:s19+$0xFFFFFFB0] =	vst v4  }
0x6f: {  	v6 =	vor.u32 v6, v9;
	v1 =	vor.u32 v1, v2;
	v2 =	vor.u32 v0, v3;
	[tilespmem:s19+$0xFFFFFFC0] =	vst v5  }
0x70: {  	v6 =	vor.u32 v0, v6;
	[tilespmem:s20+$0xFFFFFFD0] =	vst v2  }
0x71: {  	v1 =	vor.u32 v0, v1;
	[tilespmem:s19+$0xFFFFFFF0] =	vst v6  }
0x72: {  	[tilespmem:s20+$0xFFFFFFE0] =	vst v1  }
0x73: {  	[tilespmem:s15], [sflag:$0x2] =	stream.indirect.gather [hbm4b:s2+s11], $0x1, s14, s11, $0xb8;
	[tilespmem:$0x4B00] =	vst v63  }
0x74: {  	_ =	swait.ge [sflag:s16], $0xC80  }
0x75: {  	[sflag:s16] =	ssyncset.done $0x0  }
0x76: {  	s31 =	simm.s32 $0x40;
	[sflag:s16] =	ssyncadd.s32 $0xFFFFF380  }
0x77: {  	v1 =	vld [tilespmem:s31+$0x30]  }
0x78: {  	s19 =	simm.s32 $0x3240;
	v2 =	vld [tilespmem:s31+$0xFFFFFFC0]  }
0x79: {  	v3 =	vld [tilespmem:s19+$0x30]  }
0x7a: {  	v4 =	vld [tilespmem:s31+$0xFFFFFFD0]  }
0x7b: {  	v6 =	vld [tilespmem:s31+$0xFFFFFFE0]  }
0x7c: {  	v7 =	vld [tilespmem:s31+$0xFFFFFFF0]  }
0x7d: {  	v8 =	vld [tilespmem:s31+$0x0]  }
0x7e: {  	v9 =	vld [tilespmem:s31+$0x10]  }
0x7f: {  	v11 =	vld [tilespmem:s31+$0x20]  }
0x80: {  	v12 =	vld [tilespmem:s19+$0xFFFFFFD0]  }
0x81: {  	v13 =	vld [tilespmem:s19+$0xFFFFFFE0]  }
0x82: {  	v5 =	vld [tilespmem:s19+$0xFFFFFFF0];
	v10 =	vcvt.s32.f32 v1  }
0x83: {  	v1 =	vcvt.s32.f32 v2;
	v14 =	vcvt.s32.f32 v4;
	v2 =	vld [tilespmem:s19+$0x0]  }
0x84: {  	v16 =	vcvt.s32.f32 v6;
	v15 =	vadd.f32 v10, v3;
	v3 =	vld [tilespmem:s19+$0x10]  }
0x85: {  	v8 =	vcvt.s32.f32 v8;
	v6 =	vld [tilespmem:s19+$0x20];
	v10 =	vcvt.s32.f32 v7;
	v12 =	vadd.f32 v14, v12  }
0x86: {  	s21 =	simm.s32 $0x0;
	s22 =	simm.s32 $0xC0;
	s20 =	simm.s32 $0x3240;
	v4 =	vcvt.s32.f32 v9;
	v9 =	vld [tilespmem:s19+$0xFFFFFFC0];
	v7 =	vcvt.s32.f32 v11;
	v11 =	vadd.f32 v16, v13;
	[tilespmem:s19+$0x30] =	vst v15  }
.LBB2_6:
0x87: {  	v13 =	vld [tilespmem:s22+$0x30];
	s21 =	sadd.s32 $0x8, s21;
	[tilespmem:s19+$0xFFFFFFD0] =	vst v12;
	v5 =	vadd.f32 v10, v5  }
0x88: {  	s19 =	sadd.s32 $0x80, s19;
	v10 =	vld [tilespmem:s22+$0xFFFFFFC0];
	p0 =	slt.u32 s21, $0xC0;
	[tilespmem:s20+$0xFFFFFFE0] =	vst v11;
	v2 =	vadd.f32 v8, v2  }
0x89: {  	v8 =	vld [tilespmem:s19+$0x30];
	[tilespmem:s20+$0xFFFFFFF0] =	vst v5;
	v3 =	vadd.f32 v4, v3  }
0x8a: {  	v4 =	vld [tilespmem:s22+$0xFFFFFFD0];
	[tilespmem:s20+$0x0] =	vst v2;
	v2 =	vadd.f32 v7, v6  }
0x8b: {  	v5 =	vld [tilespmem:s22+$0xFFFFFFE0];
	v6 =	vadd.f32 v1, v9;
	[tilespmem:s20+$0x10] =	vst v3  }
0x8c: {  	v3 =	vld [tilespmem:s22+$0xFFFFFFF0];
	v7 =	vcvt.s32.f32 v13;
	[tilespmem:s20+$0x20] =	vst v2  }
0x8d: {  	v1 =	vcvt.s32.f32 v10;
	v2 =	vld [tilespmem:s22+$0x0];
	[tilespmem:s20+$0xFFFFFFC0] =	vst v6;
	s20 =	smov.u32 s19  }
0x8e: {  	v6 =	vld [tilespmem:s22+$0x10];
	v7 =	vadd.f32 v7, v8  }
0x8f: {  	v9 =	vcvt.s32.f32 v4;
	v11 =	vld [tilespmem:s22+$0x20]  }
0x90: {  	v12 =	vld [tilespmem:s19+$0xFFFFFFD0];
	v13 =	vcvt.s32.f32 v5;
	[tilespmem:s19+$0x30] =	vst v7  }
0x91: {  	v14 =	vld [tilespmem:s19+$0xFFFFFFE0];
	v10 =	vcvt.s32.f32 v3  }
.Ltmp2:
0x92: {  	v5 =	vld [tilespmem:s19+$0xFFFFFFF0];
	v8 =	vcvt.s32.f32 v2;
	(pc) =	sbr.rel @p0 .LBB2_6-.Ltmp2, $4  }
0x93: {  	v2 =	vld [tilespmem:s19+$0x0];
	v4 =	vcvt.s32.f32 v6  }
0x94: {  	v3 =	vld [tilespmem:s19+$0x10];
	v7 =	vcvt.s32.f32 v11  }
0x95: {  	v12 =	vadd.f32 v9, v12;
	v6 =	vld [tilespmem:s19+$0x20]  }
0x96: {  	s22 =	sadd.s32 $0x80, s22;
	v9 =	vld [tilespmem:s19+$0xFFFFFFC0];
	v11 =	vadd.f32 v13, v14  }
0x97: {  	[tilespmem:s19+$0xFFFFFFD0] =	vst v12;
	v5 =	vadd.f32 v10, v5  }
0x98: {  	[tilespmem:s20+$0xFFFFFFE0] =	vst v11;
	v2 =	vadd.f32 v8, v2  }
0x99: {  	[tilespmem:s20+$0xFFFFFFF0] =	vst v5;
	v3 =	vadd.f32 v4, v3  }
0x9a: {  	[tilespmem:s20+$0x0] =	vst v2;
	v2 =	vadd.f32 v7, v6  }
0x9b: {  	v1 =	vadd.f32 v1, v9;
	[tilespmem:s20+$0x10] =	vst v3  }
0x9c: {  	[tilespmem:s20+$0x20] =	vst v2  }
0x9d: {  	[tilespmem:s20+$0xFFFFFFC0] =	vst v1  }
0x9e: {  	[hbm4b:s4+s3] =	stream.linear.scatter [tilespmem:s13], [sflag:$0x3], $0xC80, $0x38;
	[tilespmem:$0x4B00] =	vst v63  }
0x9f: {  	_ =	swait.ge [sflag:s10], $0xC80  }
0xa0: {  	[sflag:s10] =	ssyncset.done $0x0  }
0xa1: {  	[sflag:s10] =	ssyncadd.s32 $0xFFFFF380  }
0xa2: {  	_ =	swait.ge [sflag:s17], $0xC80  }
0xa3: {  	[sflag:s17] =	ssyncset.done $0x0  }
0xa4: {  	s31 =	simm.s32 $0xCF0;
	[sflag:s17] =	ssyncadd.s32 $0xFFFFF380  }
0xa5: {  	v1 =	vld [tilespmem:s31+$0x0]  }
0xa6: {  	s19 =	simm.s32 $0x3EF0;
	v2 =	vld [tilespmem:s31+$0xFFFFFF90]  }
0xa7: {  	v3 =	vld [tilespmem:s19+$0x0]  }
0xa8: {  	v4 =	vld [tilespmem:s31+$0xFFFFFFA0]  }
0xa9: {  	v6 =	vld [tilespmem:s31+$0xFFFFFFB0]  }
0xaa: {  	v7 =	vld [tilespmem:s31+$0xFFFFFFC0]  }
0xab: {  	v8 =	vld [tilespmem:s31+$0xFFFFFFD0]  }
0xac: {  	v9 =	vld [tilespmem:s31+$0xFFFFFFE0]  }
0xad: {  	v11 =	vld [tilespmem:s31+$0xFFFFFFF0]  }
0xae: {  	v12 =	vld [tilespmem:s19+$0xFFFFFFA0]  }
0xaf: {  	v13 =	vld [tilespmem:s19+$0xFFFFFFB0]  }
0xb0: {  	v5 =	vld [tilespmem:s19+$0xFFFFFFC0];
	v10 =	vcvt.s32.f32 v1  }
0xb1: {  	v1 =	vcvt.s32.f32 v2;
	v14 =	vcvt.s32.f32 v4;
	v2 =	vld [tilespmem:s19+$0xFFFFFFD0]  }
0xb2: {  	v16 =	vcvt.s32.f32 v6;
	v15 =	vadd.f32 v10, v3;
	v3 =	vld [tilespmem:s19+$0xFFFFFFE0]  }
0xb3: {  	v8 =	vcvt.s32.f32 v8;
	v6 =	vld [tilespmem:s19+$0xFFFFFFF0];
	v10 =	vcvt.s32.f32 v7;
	v12 =	vadd.f32 v14, v12  }
0xb4: {  	s21 =	simm.s32 $0xC8;
	s22 =	simm.s32 $0xD70;
	s20 =	simm.s32 $0x3EF0;
	v4 =	vcvt.s32.f32 v9;
	v9 =	vld [tilespmem:s19+$0xFFFFFF90];
	v7 =	vcvt.s32.f32 v11;
	v11 =	vadd.f32 v16, v13;
	[tilespmem:s19+$0x0] =	vst v15  }
.LBB2_8:
0xb5: {  	v13 =	vld [tilespmem:s22+$0x0];
	s21 =	sadd.s32 $0x8, s21;
	[tilespmem:s19+$0xFFFFFFA0] =	vst v12;
	v5 =	vadd.f32 v10, v5  }
0xb6: {  	s19 =	sadd.s32 $0x80, s19;
	v10 =	vld [tilespmem:s22+$0xFFFFFF90];
	p0 =	slt.u32 s21, $0x188;
	[tilespmem:s20+$0xFFFFFFB0] =	vst v11;
	v2 =	vadd.f32 v8, v2  }
0xb7: {  	v8 =	vld [tilespmem:s19+$0x0];
	[tilespmem:s20+$0xFFFFFFC0] =	vst v5;
	v3 =	vadd.f32 v4, v3  }
0xb8: {  	v4 =	vld [tilespmem:s22+$0xFFFFFFA0];
	[tilespmem:s20+$0xFFFFFFD0] =	vst v2;
	v2 =	vadd.f32 v7, v6  }
0xb9: {  	v5 =	vld [tilespmem:s22+$0xFFFFFFB0];
	v6 =	vadd.f32 v1, v9;
	[tilespmem:s20+$0xFFFFFFE0] =	vst v3  }
0xba: {  	v3 =	vld [tilespmem:s22+$0xFFFFFFC0];
	v7 =	vcvt.s32.f32 v13;
	[tilespmem:s20+$0xFFFFFFF0] =	vst v2  }
0xbb: {  	v1 =	vcvt.s32.f32 v10;
	v2 =	vld [tilespmem:s22+$0xFFFFFFD0];
	[tilespmem:s20+$0xFFFFFF90] =	vst v6;
	s20 =	smov.u32 s19  }
0xbc: {  	v6 =	vld [tilespmem:s22+$0xFFFFFFE0];
	v7 =	vadd.f32 v7, v8  }
0xbd: {  	v9 =	vcvt.s32.f32 v4;
	v11 =	vld [tilespmem:s22+$0xFFFFFFF0]  }
0xbe: {  	v12 =	vld [tilespmem:s19+$0xFFFFFFA0];
	v13 =	vcvt.s32.f32 v5;
	[tilespmem:s19+$0x0] =	vst v7  }
0xbf: {  	v14 =	vld [tilespmem:s19+$0xFFFFFFB0];
	v10 =	vcvt.s32.f32 v3  }
.Ltmp3:
0xc0: {  	v5 =	vld [tilespmem:s19+$0xFFFFFFC0];
	v8 =	vcvt.s32.f32 v2;
	(pc) =	sbr.rel @p0 .LBB2_8-.Ltmp3, $4  }
0xc1: {  	v2 =	vld [tilespmem:s19+$0xFFFFFFD0];
	v4 =	vcvt.s32.f32 v6  }
0xc2: {  	v3 =	vld [tilespmem:s19+$0xFFFFFFE0];
	v7 =	vcvt.s32.f32 v11  }
0xc3: {  	v12 =	vadd.f32 v9, v12;
	v6 =	vld [tilespmem:s19+$0xFFFFFFF0]  }
0xc4: {  	s22 =	sadd.s32 $0x80, s22;
	v9 =	vld [tilespmem:s19+$0xFFFFFF90];
	v11 =	vadd.f32 v13, v14  }
0xc5: {  	[tilespmem:s19+$0xFFFFFFA0] =	vst v12;
	v5 =	vadd.f32 v10, v5  }
0xc6: {  	[tilespmem:s20+$0xFFFFFFB0] =	vst v11;
	v2 =	vadd.f32 v8, v2  }
0xc7: {  	[tilespmem:s20+$0xFFFFFFC0] =	vst v5;
	v3 =	vadd.f32 v4, v3  }
0xc8: {  	[tilespmem:s20+$0xFFFFFFD0] =	vst v2;
	v2 =	vadd.f32 v7, v6  }
0xc9: {  	s18 =	sadd.s32 $0x1, s18;
	v1 =	vadd.f32 v1, v9;
	[tilespmem:s20+$0xFFFFFFE0] =	vst v3  }
0xca: {  	p0 =	sne.s32 s18, s7;
	[tilespmem:s20+$0xFFFFFFF0] =	vst v2  }
.Ltmp4:
0xcb: {  	[tilespmem:s20+$0xFFFFFF90] =	vst v1;
	(pc) =	sbr.rel @p0 .LBB2_1-.Ltmp4, $4  }
0xcc: {  	[hbm4b:s6+s3] =	stream.linear.scatter [tilespmem:s15], [sflag:$0x3], $0xC80, $0x38;
	[tilespmem:$0x4B00] =	vst v63  }
0xcd: {  	_ =	swait.ge [sflag:s10], $0xC80  }
0xce: {  	[sflag:s10] =	ssyncset.done $0x0  }
0xcf: {  	[sflag:s10] =	ssyncadd.s32 $0xFFFFF380  }
0xd0: {  	_ =	sfence.sel $0x180000  }
0xd1: {  	[bflag:$0x0] =	sbarrier.arrive $0xFFFF  }
0xd2: {  	p0 =	sne.s32 s0, $0x0;
	_ =	strace $0x90000047  }
0xd3: {  	s0 =	sadd.s32 @!p0 $0x100000, s1;
	[bflag:$0x2] =	sbarrier.arrive $0xFFFF  }
0xd4: {  	[sflag:s0] =	ssyncadd.tile.s32 @!p0 $0x1;
	_ =	shalt  }
.Lfunc_end2:
_tile_overlayer_lowered:
.L_overlay_start_2:
0xd5: {  	(tag) =	ssettag $0x2  }
0xd6: {  	s0 =	rddreg [dreg:$0x0];
	s2 =	stileid.u32  }
0xd7: {  	s1 =	rddreg [dreg:$0x1];
	p0 =	sne.s32 s2, $0x0  }
0xd8: {  	s3 =	rddreg [dreg:$0x2];
	[bflag:$0x3] =	sbarrier.arrive $0xFFFF;
	s2 =	simm.s32 @!p0 $0x1C03  }
0xd9: {  	[timem:s3], [sflag:s2] =	dma.local @!p0 [hbm:s0], s1  }
0xda: {  	s0 =	simm.s32 @!p0 $0x3  }
0xdb: {  	_ =	swait.ge @!p0 [sflag:s0], s1  }
0xdc: {  	s1 =	ssub.s32 @!p0 $0x0, s1;
	[sflag:s0] =	ssyncset.done @!p0 $0x0  }
0xdd: {  	[sflag:s0] =	ssyncadd.s32 @!p0 s1  }
0xde: {  	[bflag:$0x3] =	sbarrier.arrive $0xFFFF  }
0xdf: {  	_ =	shalt  }

</sc_bundles>
